<compile_context>
chip_gen: v7x
topology: tpu7x:2x2x1
jax: 0.10.2.dev20260603
libtpu: 0.0.44.dev20260713+nightly
codegen_flags: <defaults>
</compile_context>

<pallas_src>
import functools

import jax
import jax.numpy as jnp
from jax import lax
from jax.experimental import pallas as pl
from jax.experimental.pallas import tpu as pltpu
from jax.experimental.pallas import tpu_sc as plsc

NUM_ROWS = 1000000
BATCH = 16384
EMBED = 64
HIDDEN = 128

_NC, _NS = 2, 16
_NW = _NC * _NS
_B_PER_W = BATCH // _NW
_E_PER_W = _B_PER_W * EMBED
_CH = 128
_NCHUNK = _E_PER_W // _CH


def _gather_body(fidx_u_hbm, fidx_b_hbm, uflat_hbm, bflat_hbm,
                 ue_out, be_out, idx_v, vals_v, sem):
    wid = lax.axis_index("s") * _NC + lax.axis_index("c")
    base = pl.multiple_of(wid * _E_PER_W, _E_PER_W)

    def one_table(fidx_hbm, flat_hbm, out_hbm):
        pltpu.sync_copy(fidx_hbm.at[pl.ds(base, _E_PER_W)], idx_v)

        def chunk(j, c):
            off = pl.multiple_of(j * _CH, _CH)
            pltpu.make_async_copy(
                flat_hbm.at[idx_v.at[pl.ds(off, _CH)]],
                vals_v.at[pl.ds(off, _CH)], sem).start()
            return c

        lax.fori_loop(0, _NCHUNK, chunk, 0)
        pltpu.make_async_copy(flat_hbm.at[pl.ds(0, _E_PER_W)], vals_v,
                              sem).wait()
        pltpu.sync_copy(vals_v, out_hbm.at[pl.ds(base, _E_PER_W)])

    one_table(fidx_u_hbm, uflat_hbm, ue_out)
    one_table(fidx_b_hbm, bflat_hbm, be_out)


@functools.lru_cache(maxsize=1)
def _make_gather():
    return pl.kernel(
        _gather_body,
        mesh=plsc.VectorSubcoreMesh(core_axis_name="c", subcore_axis_name="s"),
        out_type=[
            jax.ShapeDtypeStruct((BATCH * EMBED,), jnp.float32),
            jax.ShapeDtypeStruct((BATCH * EMBED,), jnp.float32),
        ],
        scratch_types=[
            pltpu.VMEM((_E_PER_W,), jnp.int32),
            pltpu.VMEM((_E_PER_W,), jnp.float32),
            pltpu.SemaphoreType.DMA,
        ],
    )


_BS = 2048


def _mlp_body(ue_ref, be_ref, w1t_ref, b1_ref, w2t_ref, b2_ref, out_ref):
    w1t = w1t_ref[:]
    h = (jnp.dot(ue_ref[:], w1t[:EMBED], preferred_element_type=jnp.float32)
         + jnp.dot(be_ref[:], w1t[EMBED:], preferred_element_type=jnp.float32)
         + b1_ref[:])
    h = jnp.where(h >= 0, h, 0.01 * h)
    raw = jnp.dot(h, w2t_ref[:], preferred_element_type=jnp.float32) + b2_ref[0, 0]
    out_ref[:] = 1.0 + 4.0 * jax.nn.sigmoid(raw)


_mlp = pl.pallas_call(
    _mlp_body,
    grid=(BATCH // _BS,),
    in_specs=[
        pl.BlockSpec((_BS, EMBED), lambda i: (i, 0)),
        pl.BlockSpec((_BS, EMBED), lambda i: (i, 0)),
        pl.BlockSpec((HIDDEN, HIDDEN), lambda i: (0, 0)),
        pl.BlockSpec((1, HIDDEN), lambda i: (0, 0)),
        pl.BlockSpec((HIDDEN, 1), lambda i: (0, 0)),
        pl.BlockSpec(memory_space=pltpu.SMEM),
    ],
    out_specs=pl.BlockSpec((_BS, 1), lambda i: (i, 0)),
    out_shape=jax.ShapeDtypeStruct((BATCH, 1), jnp.float32),
)


def kernel(user_id, book_id, user_emb, book_emb, W1, b1, W2, b2):
    uid = user_id.astype(jnp.int32)
    bid = book_id.astype(jnp.int32)
    d_off = (jnp.arange(EMBED, dtype=jnp.int32) * NUM_ROWS)[None, :]
    fidx_u = (uid[:, None] + d_off).reshape(-1)
    fidx_b = (bid[:, None] + d_off).reshape(-1)
    uflat = user_emb.swapaxes(0, 1).reshape(-1)
    bflat = book_emb.swapaxes(0, 1).reshape(-1)
    ue_flat, be_flat = _make_gather()(fidx_u, fidx_b, uflat, bflat)
    ue = ue_flat.reshape(BATCH, EMBED)
    be = be_flat.reshape(BATCH, EMBED)
    return _mlp(ue, be, W1.swapaxes(0, 1), b1.reshape(1, HIDDEN),
                W2.swapaxes(0, 1), b2.reshape(1, 1))

# --- scband reference (transcript-rebuilt; emitter-appended) ---
"""Pipeline reference for scband-concat-model-87153476370973 (READ-ONLY COPY).

The authoritative reference and input builder live on the scoring server;
editing this copy changes nothing except your own understanding.
"""

import jax, jax.numpy as jnp
import numpy as np

NUM_USERS = 1000000
NUM_BOOKS = 1000000
EMBED_DIM = 64
HIDDEN = 128
BATCH = 16384


def setup_inputs(seed: int = 0) -> dict:
    key = jax.random.key(seed)
    k1, k2, k3, k4, k5, k6 = jax.random.split(key, 6)
    user_id = jax.random.randint(k1, (BATCH,), 0, NUM_USERS, dtype=jnp.int64 if jax.config.jax_enable_x64 else jnp.int32)
    book_id = jax.random.randint(k2, (BATCH,), 0, NUM_BOOKS, dtype=jnp.int64 if jax.config.jax_enable_x64 else jnp.int32)
    # xavier_uniform for embeddings: bound = sqrt(6/(fan_in+fan_out))
    bu = float(np.sqrt(6.0 / (NUM_USERS + EMBED_DIM)))
    bb = float(np.sqrt(6.0 / (NUM_BOOKS + EMBED_DIM)))
    user_emb = jax.random.uniform(k3, (NUM_USERS, EMBED_DIM), jnp.float32, -bu, bu)
    book_emb = jax.random.uniform(k4, (NUM_BOOKS, EMBED_DIM), jnp.float32, -bb, bb)
    in1 = EMBED_DIM * 2
    lim1 = float(1.0 / np.sqrt(in1))
    W1 = jax.random.uniform(k5, (HIDDEN, in1), jnp.float32, -lim1, lim1)
    b1 = jnp.zeros((HIDDEN,), jnp.float32)
    lim2 = float(1.0 / np.sqrt(HIDDEN))
    W2 = jax.random.uniform(k6, (1, HIDDEN), jnp.float32, -lim2, lim2)
    b2 = jnp.zeros((1,), jnp.float32)
    return {"user_id": user_id, "book_id": book_id, "user_emb": user_emb, "book_emb": book_emb, "W1": W1, "b1": b1, "W2": W2, "b2": b2}


def reference(user_id, book_id, user_emb, book_emb, W1, b1, W2, b2):
    ue = jnp.take(user_emb, user_id, axis=0)
    be = jnp.take(book_emb, book_id, axis=0)
    inp = jnp.concatenate((ue, be), axis=1)
    h = inp @ W1.T + b1
    h = jnp.where(h >= 0, h, 0.01 * h)  # LeakyReLU default slope 0.01
    raw = h @ W2.T + b2
    return 1.0 + 4.0 * jax.nn.sigmoid(raw)

if __name__ == "__main__":
    import jax
    _d = setup_inputs()
    print(jax.jit(kernel)(*tuple(_d.values())))

</pallas_src>

<mosaic_0001>
#map = affine_map<(d0, d1) -> (0)>
module attributes {stable_mosaic.version = 14 : i64} {
  func.func @_gather_body(%arg0: i32, %arg1: i32, %arg2: memref<1048576xi32, #tpu.memory_space<hbm>>, %arg3: memref<1048576xi32, #tpu.memory_space<hbm>>, %arg4: memref<64000000xf32, #tpu.memory_space<hbm>>, %arg5: memref<64000000xf32, #tpu.memory_space<hbm>>, %arg6: memref<1048576xf32, #tpu.memory_space<hbm>>, %arg7: memref<1048576xf32, #tpu.memory_space<hbm>>, %arg8: memref<32768xi32, #tpu.memory_space<vmem>>, %arg9: memref<32768xf32, #tpu.memory_space<vmem>>, %arg10: memref<!tpu.dma_semaphore, #tpu.memory_space<semaphore_mem>>) attributes {dimension_semantics = [#tpu.dimension_semantics<core_parallel>, #tpu.dimension_semantics<subcore_parallel>], iteration_bounds = array<i64: 2, 16>, scalar_prefetch = 0 : i64, scratch_operands = 3 : i64, tpu.core_type = #tpu.core_type<sc_vector_subcore>, window_params = [{transform_indices = #map}, {transform_indices = #map}, {transform_indices = #map}, {transform_indices = #map}, {transform_indices = #map}, {transform_indices = #map}]} {
    %mul3A = arith.constant 2 : i32
    %mul3A_0 = arith.muli %arg1, %mul3A : i32
    %add3A = arith.addi %mul3A_0, %arg0 : i32
    %mul3A_1 = arith.constant 32768 : i32
    %mul3A_2 = arith.muli %add3A, %mul3A_1 : i32
    %multiple_of3A = tpu.assume_multiple %mul3A_2, 32768 : i32
    "tpu.region"() ({
      %run_scoped3A = tpu.sem_alloc : memref<!tpu.dma_semaphore, #tpu.memory_space<semaphore_mem>>
      %dma_start3A = tpu.memref_slice %arg2[%multiple_of3A] : memref<1048576xi32, #tpu.memory_space<hbm>> -> memref<32768xi32, #tpu.memory_space<hbm>>
      %dma_start3A_21 = tpu.memref_slice %arg2[%multiple_of3A] : memref<1048576xi32, #tpu.memory_space<hbm>> -> memref<32768xi32, #tpu.memory_space<hbm>>
      tpu.enqueue_dma source(%dma_start3A_21 : memref<32768xi32, #tpu.memory_space<hbm>>) target(%arg8 : memref<32768xi32, #tpu.memory_space<vmem>>) target_semaphore(%run_scoped3A : memref<!tpu.dma_semaphore, #tpu.memory_space<semaphore_mem>>)
      %dma_wait3A_22 = tpu.memref_slice %arg2[%multiple_of3A] : memref<1048576xi32, #tpu.memory_space<hbm>> -> memref<32768xi32, #tpu.memory_space<hbm>>
      %dma_wait3A_23 = tpu.memref_slice %arg2[%multiple_of3A] : memref<1048576xi32, #tpu.memory_space<hbm>> -> memref<32768xi32, #tpu.memory_space<hbm>>
      tpu.wait_dma2 semaphore(%run_scoped3A : memref<!tpu.dma_semaphore, #tpu.memory_space<semaphore_mem>>) src(%dma_wait3A_23 : memref<32768xi32, #tpu.memory_space<hbm>>) dst(%arg8 : memref<32768xi32, #tpu.memory_space<vmem>>)
      tpu.yield
    }) : () -> ()
    %scan3A = arith.constant 0 : i32
    %scan3A_3 = arith.constant 0 : i32
    %scan3A_4 = arith.constant 256 : i32
    %scan3A_5 = arith.addi %scan3A_3, %scan3A_4 : i32
    %scan3A_6 = arith.constant 1 : i32
    scf.for %scan3A_21 = %scan3A_3 to %scan3A_5 step %scan3A_6  : i32 {
      %mul3A_22 = arith.constant 128 : i32
      %mul3A_23 = arith.muli %scan3A_21, %mul3A_22 : i32
      %multiple_of3A_24 = tpu.assume_multiple %mul3A_23, 128 : i32
      %dma_start3A = tpu.memref_slice %arg9[%multiple_of3A_24] : memref<32768xf32, #tpu.memory_space<vmem>> -> memref<128xf32, #tpu.memory_space<vmem>>
      %dma_start3A_25 = tpu.memref_slice %arg8[%multiple_of3A_24] : memref<32768xi32, #tpu.memory_space<vmem>> -> memref<128xi32, #tpu.memory_space<vmem>>
      %dma_start3A_26 = arith.constant 0 : i32
      %dma_start3A_27 = tpu.memref_slice %arg4[%dma_start3A_26] : memref<64000000xf32, #tpu.memory_space<hbm>> -> memref<64000000xf32, #tpu.memory_space<hbm>>
      tpu.enqueue_indirect_dma source(%dma_start3A_27 : memref<64000000xf32, #tpu.memory_space<hbm>>) target(%dma_start3A : memref<128xf32, #tpu.memory_space<vmem>>) offsets(%dma_start3A_25 : memref<128xi32, #tpu.memory_space<vmem>>) semaphore(%arg10 : memref<!tpu.dma_semaphore, #tpu.memory_space<semaphore_mem>>)
    }
    %scan3A_7 = arith.constant 256 : i32
    %dma_wait3A = arith.constant 0 : i32
    %dma_wait3A_8 = tpu.memref_slice %arg4[%dma_wait3A] : memref<64000000xf32, #tpu.memory_space<hbm>> -> memref<32768xf32, #tpu.memory_space<hbm>>
    %dma_wait3A_9 = arith.constant 0 : i32
    %dma_wait3A_10 = tpu.memref_slice %arg4[%dma_wait3A_9] : memref<64000000xf32, #tpu.memory_space<hbm>> -> memref<32768xf32, #tpu.memory_space<hbm>>
    tpu.wait_dma2 semaphore(%arg10 : memref<!tpu.dma_semaphore, #tpu.memory_space<semaphore_mem>>) src(%dma_wait3A_10 : memref<32768xf32, #tpu.memory_space<hbm>>) dst(%arg9 : memref<32768xf32, #tpu.memory_space<vmem>>)
    "tpu.region"() ({
      %run_scoped3A = tpu.sem_alloc : memref<!tpu.dma_semaphore, #tpu.memory_space<semaphore_mem>>
      %dma_start3A = tpu.memref_slice %arg6[%multiple_of3A] : memref<1048576xf32, #tpu.memory_space<hbm>> -> memref<32768xf32, #tpu.memory_space<hbm>>
      %dma_start3A_21 = tpu.memref_slice %arg6[%multiple_of3A] : memref<1048576xf32, #tpu.memory_space<hbm>> -> memref<32768xf32, #tpu.memory_space<hbm>>
      tpu.enqueue_dma source(%arg9 : memref<32768xf32, #tpu.memory_space<vmem>>) target(%dma_start3A_21 : memref<32768xf32, #tpu.memory_space<hbm>>) target_semaphore(%run_scoped3A : memref<!tpu.dma_semaphore, #tpu.memory_space<semaphore_mem>>)
      %dma_wait3A_22 = tpu.memref_slice %arg6[%multiple_of3A] : memref<1048576xf32, #tpu.memory_space<hbm>> -> memref<32768xf32, #tpu.memory_space<hbm>>
      %dma_wait3A_23 = tpu.memref_slice %arg6[%multiple_of3A] : memref<1048576xf32, #tpu.memory_space<hbm>> -> memref<32768xf32, #tpu.memory_space<hbm>>
      tpu.wait_dma2 semaphore(%run_scoped3A : memref<!tpu.dma_semaphore, #tpu.memory_space<semaphore_mem>>) src(%arg9 : memref<32768xf32, #tpu.memory_space<vmem>>) dst(%dma_wait3A_23 : memref<32768xf32, #tpu.memory_space<hbm>>)
      tpu.yield
    }) : () -> ()
    "tpu.region"() ({
      %run_scoped3A = tpu.sem_alloc : memref<!tpu.dma_semaphore, #tpu.memory_space<semaphore_mem>>
      %dma_start3A = tpu.memref_slice %arg3[%multiple_of3A] : memref<1048576xi32, #tpu.memory_space<hbm>> -> memref<32768xi32, #tpu.memory_space<hbm>>
      %dma_start3A_21 = tpu.memref_slice %arg3[%multiple_of3A] : memref<1048576xi32, #tpu.memory_space<hbm>> -> memref<32768xi32, #tpu.memory_space<hbm>>
      tpu.enqueue_dma source(%dma_start3A_21 : memref<32768xi32, #tpu.memory_space<hbm>>) target(%arg8 : memref<32768xi32, #tpu.memory_space<vmem>>) target_semaphore(%run_scoped3A : memref<!tpu.dma_semaphore, #tpu.memory_space<semaphore_mem>>)
      %dma_wait3A_22 = tpu.memref_slice %arg3[%multiple_of3A] : memref<1048576xi32, #tpu.memory_space<hbm>> -> memref<32768xi32, #tpu.memory_space<hbm>>
      %dma_wait3A_23 = tpu.memref_slice %arg3[%multiple_of3A] : memref<1048576xi32, #tpu.memory_space<hbm>> -> memref<32768xi32, #tpu.memory_space<hbm>>
      tpu.wait_dma2 semaphore(%run_scoped3A : memref<!tpu.dma_semaphore, #tpu.memory_space<semaphore_mem>>) src(%dma_wait3A_23 : memref<32768xi32, #tpu.memory_space<hbm>>) dst(%arg8 : memref<32768xi32, #tpu.memory_space<vmem>>)
      tpu.yield
    }) : () -> ()
    %scan3A_11 = arith.constant 0 : i32
    %scan3A_12 = arith.constant 0 : i32
    %scan3A_13 = arith.constant 256 : i32
    %scan3A_14 = arith.addi %scan3A_12, %scan3A_13 : i32
    %scan3A_15 = arith.constant 1 : i32
    scf.for %scan3A_21 = %scan3A_12 to %scan3A_14 step %scan3A_15  : i32 {
      %mul3A_22 = arith.constant 128 : i32
      %mul3A_23 = arith.muli %scan3A_21, %mul3A_22 : i32
      %multiple_of3A_24 = tpu.assume_multiple %mul3A_23, 128 : i32
      %dma_start3A = tpu.memref_slice %arg9[%multiple_of3A_24] : memref<32768xf32, #tpu.memory_space<vmem>> -> memref<128xf32, #tpu.memory_space<vmem>>
      %dma_start3A_25 = tpu.memref_slice %arg8[%multiple_of3A_24] : memref<32768xi32, #tpu.memory_space<vmem>> -> memref<128xi32, #tpu.memory_space<vmem>>
      %dma_start3A_26 = arith.constant 0 : i32
      %dma_start3A_27 = tpu.memref_slice %arg5[%dma_start3A_26] : memref<64000000xf32, #tpu.memory_space<hbm>> -> memref<64000000xf32, #tpu.memory_space<hbm>>
      tpu.enqueue_indirect_dma source(%dma_start3A_27 : memref<64000000xf32, #tpu.memory_space<hbm>>) target(%dma_start3A : memref<128xf32, #tpu.memory_space<vmem>>) offsets(%dma_start3A_25 : memref<128xi32, #tpu.memory_space<vmem>>) semaphore(%arg10 : memref<!tpu.dma_semaphore, #tpu.memory_space<semaphore_mem>>)
    }
    %scan3A_16 = arith.constant 256 : i32
    %dma_wait3A_17 = arith.constant 0 : i32
    %dma_wait3A_18 = tpu.memref_slice %arg5[%dma_wait3A_17] : memref<64000000xf32, #tpu.memory_space<hbm>> -> memref<32768xf32, #tpu.memory_space<hbm>>
    %dma_wait3A_19 = arith.constant 0 : i32
    %dma_wait3A_20 = tpu.memref_slice %arg5[%dma_wait3A_19] : memref<64000000xf32, #tpu.memory_space<hbm>> -> memref<32768xf32, #tpu.memory_space<hbm>>
    tpu.wait_dma2 semaphore(%arg10 : memref<!tpu.dma_semaphore, #tpu.memory_space<semaphore_mem>>) src(%dma_wait3A_20 : memref<32768xf32, #tpu.memory_space<hbm>>) dst(%arg9 : memref<32768xf32, #tpu.memory_space<vmem>>)
    "tpu.region"() ({
      %run_scoped3A = tpu.sem_alloc : memref<!tpu.dma_semaphore, #tpu.memory_space<semaphore_mem>>
      %dma_start3A = tpu.memref_slice %arg7[%multiple_of3A] : memref<1048576xf32, #tpu.memory_space<hbm>> -> memref<32768xf32, #tpu.memory_space<hbm>>
      %dma_start3A_21 = tpu.memref_slice %arg7[%multiple_of3A] : memref<1048576xf32, #tpu.memory_space<hbm>> -> memref<32768xf32, #tpu.memory_space<hbm>>
      tpu.enqueue_dma source(%arg9 : memref<32768xf32, #tpu.memory_space<vmem>>) target(%dma_start3A_21 : memref<32768xf32, #tpu.memory_space<hbm>>) target_semaphore(%run_scoped3A : memref<!tpu.dma_semaphore, #tpu.memory_space<semaphore_mem>>)
      %dma_wait3A_22 = tpu.memref_slice %arg7[%multiple_of3A] : memref<1048576xf32, #tpu.memory_space<hbm>> -> memref<32768xf32, #tpu.memory_space<hbm>>
      %dma_wait3A_23 = tpu.memref_slice %arg7[%multiple_of3A] : memref<1048576xf32, #tpu.memory_space<hbm>> -> memref<32768xf32, #tpu.memory_space<hbm>>
      tpu.wait_dma2 semaphore(%run_scoped3A : memref<!tpu.dma_semaphore, #tpu.memory_space<semaphore_mem>>) src(%arg9 : memref<32768xf32, #tpu.memory_space<vmem>>) dst(%dma_wait3A_23 : memref<32768xf32, #tpu.memory_space<hbm>>)
      tpu.yield
    }) : () -> ()
    return
  }
}

module attributes {stable_mosaic.version = 14 : i64} {
  func.func @_mlp_body(%arg0: i32, %arg1: memref<2048x64xf32, #tpu.memory_space<vmem>>, %arg2: memref<2048x64xf32, #tpu.memory_space<vmem>>, %arg3: memref<128x128xf32, #tpu.memory_space<vmem>>, %arg4: memref<1x128xf32, #tpu.memory_space<vmem>>, %arg5: memref<128x1xf32, #tpu.memory_space<vmem>>, %arg6: memref<1x1xf32, #tpu.memory_space<smem>>, %arg7: memref<2048x1xf32, #tpu.memory_space<vmem>>) attributes {dimension_semantics = [#tpu.dimension_semantics<arbitrary>], iteration_bounds = array<i64: 8>, scalar_prefetch = 0 : i64, scratch_operands = 0 : i64, tpu.core_type = #tpu.core_type<tc>, window_params = [{transform_indices = @transform_0, window_bounds = array<i64: 2048, 64>}, {transform_indices = @transform_1, window_bounds = array<i64: 2048, 64>}, {pipeline_mode = #tpu.pipeline_mode<synchronous>, transform_indices = @transform_2, window_bounds = array<i64: 128, 128>}, {pipeline_mode = #tpu.pipeline_mode<synchronous>, transform_indices = @transform_3, window_bounds = array<i64: 1, 128>}, {pipeline_mode = #tpu.pipeline_mode<synchronous>, transform_indices = @transform_4, window_bounds = array<i64: 128, 1>}, {transform_indices = @transform_5, window_bounds = array<i64: 1, 1>}, {transform_indices = @transform_6, window_bounds = array<i64: 2048, 1>}]} {
    %get3A = arith.constant 0 : index
    %get3A_0 = arith.constant 0 : index
    %get3A_1 = vector.load %arg3[%get3A, %get3A_0] : memref<128x128xf32, #tpu.memory_space<vmem>>, vector<128x128xf32>
    %get3A_2 = arith.constant 0 : index
    %get3A_3 = arith.constant 0 : index
    %get3A_4 = vector.load %arg1[%get3A_2, %get3A_3] : memref<2048x64xf32, #tpu.memory_space<vmem>>, vector<2048x64xf32>
    %slice3A = vector.extract_strided_slice %get3A_1 {offsets = [0, 0], sizes = [64, 128], strides = [1, 1]} : vector<128x128xf32> to vector<64x128xf32>
    %dot_general3A = arith.constant dense<0.000000e+00> : vector<2048x128xf32>
    %dot_general3A_5 = tpu.matmul %get3A_4, %slice3A, %dot_general3A {dimension_numbers = #tpu.dot_dimension_numbers<[1], [0], [0], [1], [0, 0, 1, 1], [], []>, transpose_lhs_hint = false} : vector<2048x64xf32>, vector<64x128xf32>, vector<2048x128xf32> -> vector<2048x128xf32>
    %get3A_6 = arith.constant 0 : index
    %get3A_7 = arith.constant 0 : index
    %get3A_8 = vector.load %arg2[%get3A_6, %get3A_7] : memref<2048x64xf32, #tpu.memory_space<vmem>>, vector<2048x64xf32>
    %slice3A_9 = vector.extract_strided_slice %get3A_1 {offsets = [64, 0], sizes = [64, 128], strides = [1, 1]} : vector<128x128xf32> to vector<64x128xf32>
    %dot_general3A_10 = arith.constant dense<0.000000e+00> : vector<2048x128xf32>
    %dot_general3A_11 = tpu.matmul %get3A_8, %slice3A_9, %dot_general3A_10 {dimension_numbers = #tpu.dot_dimension_numbers<[1], [0], [0], [1], [0, 0, 1, 1], [], []>, transpose_lhs_hint = false} : vector<2048x64xf32>, vector<64x128xf32>, vector<2048x128xf32> -> vector<2048x128xf32>
    %add3A = arith.addf %dot_general3A_5, %dot_general3A_11 : vector<2048x128xf32>
    %get3A_12 = arith.constant 0 : index
    %get3A_13 = arith.constant 0 : index
    %get3A_14 = vector.load %arg4[%get3A_12, %get3A_13] : memref<1x128xf32, #tpu.memory_space<vmem>>, vector<1x128xf32>
    %add3A_15 = vector.broadcast %get3A_14 : vector<1x128xf32> to vector<2048x128xf32>
    %add3A_16 = arith.addf %add3A, %add3A_15 : vector<2048x128xf32>
    %ge3A = arith.constant 0.000000e+00 : f32
    %ge3A_17 = vector.broadcast %ge3A : f32 to vector<2048x128xf32>
    %ge3A_18 = arith.cmpf oge, %add3A_16, %ge3A_17 : vector<2048x128xf32>
    %mul3A = arith.constant 0.00999999977 : f32
    %mul3A_19 = vector.broadcast %mul3A : f32 to vector<2048x128xf32>
    %mul3A_20 = arith.mulf %mul3A_19, %add3A_16 : vector<2048x128xf32>
    %select_n3A = arith.select %ge3A_18, %add3A_16, %mul3A_20 : vector<2048x128xi1>, vector<2048x128xf32>
    %get3A_21 = arith.constant 0 : index
    %get3A_22 = arith.constant 0 : index
    %get3A_23 = vector.load %arg5[%get3A_21, %get3A_22] : memref<128x1xf32, #tpu.memory_space<vmem>>, vector<128x1xf32>
    %dot_general3A_24 = arith.constant dense<0.000000e+00> : vector<2048x1xf32>
    %dot_general3A_25 = tpu.matmul %select_n3A, %get3A_23, %dot_general3A_24 {dimension_numbers = #tpu.dot_dimension_numbers<[1], [0], [0], [1], [0, 0, 1, 1], [], []>, transpose_lhs_hint = false} : vector<2048x128xf32>, vector<128x1xf32>, vector<2048x1xf32> -> vector<2048x1xf32>
    %get3A_26 = arith.constant 0 : index
    %get3A_27 = arith.constant 0 : index
    %get3A_28 = memref.load %arg6[%get3A_26, %get3A_27] : memref<1x1xf32, #tpu.memory_space<smem>>
    %add3A_29 = vector.broadcast %get3A_28 : f32 to vector<2048x1xf32>
    %add3A_30 = arith.addf %dot_general3A_25, %add3A_29 : vector<2048x1xf32>
    %logistic3A = arith.negf %add3A_30 : vector<2048x1xf32>
    %logistic3A_31 = math.exp %logistic3A : vector<2048x1xf32>
    %logistic3A_32 = arith.constant 1.000000e+00 : f32
    %logistic3A_33 = vector.broadcast %logistic3A_32 : f32 to vector<2048x1xf32>
    %logistic3A_34 = arith.addf %logistic3A_33, %logistic3A_31 : vector<2048x1xf32>
    %logistic3A_35 = arith.divf %logistic3A_33, %logistic3A_34 : vector<2048x1xf32>
    %mul3A_36 = arith.constant 4.000000e+00 : f32
    %mul3A_37 = vector.broadcast %mul3A_36 : f32 to vector<2048x1xf32>
    %mul3A_38 = arith.mulf %mul3A_37, %logistic3A_35 : vector<2048x1xf32>
    %add3A_39 = arith.constant 1.000000e+00 : f32
    %add3A_40 = vector.broadcast %add3A_39 : f32 to vector<2048x1xf32>
    %add3A_41 = arith.addf %add3A_40, %mul3A_38 : vector<2048x1xf32>
    %swap3A = arith.constant 0 : index
    %swap3A_42 = arith.constant 0 : index
    %swap3A_43 = vector.load %arg7[%swap3A, %swap3A_42] : memref<2048x1xf32, #tpu.memory_space<vmem>>, vector<2048x1xf32>
    tpu.vector_store %arg7[%swap3A, %swap3A_42], %add3A_41 {strides = array<i32>} : memref<2048x1xf32, #tpu.memory_space<vmem>>, vector<2048x1xf32>,
    return
  }
  func.func @transform_0(%arg0: i32) -> (i32, i32) {
    %c0_i32 = arith.constant 0 : i32
    %c0_i32_0 = arith.constant 0 : i32
    return %arg0, %c0_i32 : i32, i32
  }
  func.func @transform_1(%arg0: i32) -> (i32, i32) {
    %c0_i32 = arith.constant 0 : i32
    %c0_i32_0 = arith.constant 0 : i32
    return %arg0, %c0_i32 : i32, i32
  }
  func.func @transform_2(%arg0: i32) -> (i32, i32) {
    %c0_i32 = arith.constant 0 : i32
    %c0_i32_0 = arith.constant 0 : i32
    %c0_i32_1 = arith.constant 0 : i32
    return %c0_i32, %c0_i32_0 : i32, i32
  }
  func.func @transform_3(%arg0: i32) -> (i32, i32) {
    %c0_i32 = arith.constant 0 : i32
    %c0_i32_0 = arith.constant 0 : i32
    %c0_i32_1 = arith.constant 0 : i32
    return %c0_i32, %c0_i32_0 : i32, i32
  }
  func.func @transform_4(%arg0: i32) -> (i32, i32) {
    %c0_i32 = arith.constant 0 : i32
    %c0_i32_0 = arith.constant 0 : i32
    %c0_i32_1 = arith.constant 0 : i32
    return %c0_i32, %c0_i32_0 : i32, i32
  }
  func.func @transform_5(%arg0: i32) -> (i32, i32) {
    %c0_i32 = arith.constant 0 : i32
    %c0_i32_0 = arith.constant 0 : i32
    %c0_i32_1 = arith.constant 0 : i32
    return %c0_i32, %c0_i32_0 : i32, i32
  }
  func.func @transform_6(%arg0: i32) -> (i32, i32) {
    %c0_i32 = arith.constant 0 : i32
    %c0_i32_0 = arith.constant 0 : i32
    return %arg0, %c0_i32 : i32, i32
  }
}

</mosaic_0001>

<sc_bundles>
// kernel: kernel.4.cloned.1.call-start
scs
__scs_entry_jumppad:
0x0: {  	(pc) =	sbr.rel $0x88, $3  }
0x1: {  	(tag) =	ssettag $0x0;
	lr =	simm.s32 $0x1  }
0x2: {  	[smem:$0x3F99] =	sst lr;
	_ =	strace $0xD0000000  }
0x3: {  	_ = 	snop  }
0x4: {  	_ = 	snop  }
0x5: {  	_ = 	snop  }
0x6: {  	_ = 	snop  }
0x7: {  	_ = 	snop  }
__scs_overlays_trampoline_lowered:
0x8: {  	[smem:$0x3FA8] =	sst s0  }
0x9: {  	[smem:$0x3FA9] =	sst s1  }
0xa: {  	[smem:$0x3FAA] =	sst s2  }
0xb: {  	[smem:$0x3FAB] =	sst s3  }
0xc: {  	[smem:$0x3FAC] =	sst s4  }
0xd: {  	[smem:$0x3FAD] =	sst s5  }
0xe: {  	[smem:$0x3FAE] =	sst s6  }
0xf: {  	[smem:$0x3FAF] =	sst s7  }
0x10: {  	[smem:$0x3FB0] =	sst s8  }
0x11: {  	[smem:$0x3FB1] =	sst s9;
	s0 =	simm.s32 @!p0 $0x0  }
0x12: {  	s1 =	sld [smem:$0x3F97];
	s0 =	simm.s32 @p0 $0x1  }
0x13: {  	[smem:$0x3FB2] =	sst s0;
	s0 =	simm.s32 @!p1 $0x0  }
0x14: {  	s2 =	sld [smem:$0x3F96];
	s0 =	simm.s32 @p1 $0x1  }
0x15: {  	[smem:$0x3FB3] =	sst s0;
	s0 =	simm.s32 @!p2 $0x0  }
0x16: {  	s3 =	sld [smem:$0x3FDB];
	s0 =	simm.s32 @p2 $0x1  }
0x17: {  	s4 =	simm.s32 $0x1BF5;
	[smem:$0x3FB5] =	sst s0  }
0x18: {  	s0 =	sld [smem:$0x3F98];
	_ =	swait.ge [sflag:s4], $0x0  }
0x19: {  	s7 =	sld [smem:$0x3F99]  }
0x1a: {  	s8 =	sadd.s32 $0xFFFFE003, lr  }
0x1b: {  	s9 =	sadd.s32 $0xFFFFFEF7, lr;
	s5 =	simm.s32 $0xFFFFFFFF;
	p2 =	slt.u32 s8, $0xFFFFF086  }
0x1c: {  	p1 =	slt.u32 s9, $0xF7A;
	s5 =	simm.s32 @!p2 $0x0  }
0x1d: {  	s5 =	simm.s32 @p1 $0x1;
	p0 =	seq.s32 s7, s2  }
0x1e: {  	s7 =	smul.u32 @!p0 $0xF7A, s2;
	p2 =	seq.s32 @!p0 s5, $0x0  }
0x1f: {  	s9 =	smul.u32 $0xF7A, s1;
	s8 =	simm.s32 @!p0 $0x1BF5;
	p2 =	por !p2, p0  }
0x20: {  	[sflag:s8] =	ssyncset.s32 @!p0 $0xFFFFF086;
	s6 =	sadd.s32 @!p0 s3, s7;
	s7 =	simm.s32 @!p0 $0x108  }
0x21: {  	s3 =	sadd.s32 s3, s9;
	s6 =	sadd.s32 @!p0 $0x88, s6;
	s7 =	simm.s32 @p2 $0x1082  }
0x22: {  	[simem:s7], [sflag:s8] =	dma.local @!p0 [hbm:s6], $0xF7A  }
0x23: {  	s9 =	sor.u32 $0xD0000000, s2;
	s6 =	simm.s32 $0x108;
	_ =	swait.ge @!p0 [sflag:s8], $0x0  }
0x24: {  	s3 =	sadd.s32 $0x88, s3;
	s6 =	simm.s32 @!p1 $0x1082;
	[sflag:s4] =	ssyncset.s32 $0xFFFFF086  }
0x25: {  	[simem:s6], [sflag:s4] =	dma.local [hbm:s3], $0xF7A  }
0x26: {  	[smem:$0x3F99] =	sst s1;
	(tag) =	ssettag s2;
	_ =	strace s9  }
0x27: {  	s1 =	sld [smem:$0x3FA9]  }
0x28: {  	s2 =	sld [smem:$0x3FAA]  }
0x29: {  	s4 =	sld [smem:$0x3FAC]  }
0x2a: {  	p0 =	seq.s32 s5, $0x0;
	s5 =	sld [smem:$0x3FAD]  }
0x2b: {  	s6 =	sld [smem:$0x3FAE]  }
0x2c: {  	s7 =	sld [smem:$0x3FAF]  }
0x2d: {  	s3 =	simm.s32 $0x108;
	s8 =	sld [smem:$0x3FB0]  }
0x2e: {  	s3 =	simm.s32 @!p0 $0x1082;
	s9 =	sld [smem:$0x3FB1]  }
0x2f: {  	lr =	sadd.s32 s0, s3;
	s0 =	sld [smem:$0x3FA8]  }
0x30: {  	s3 =	sld [smem:$0x3FAB]  }
0x31: {  	[smem:$0x3FB4] =	sst s10  }
0x32: {  	s10 =	sld [smem:$0x3FB2];
	_ =	sdelay $0x3  }
0x33: {  	p0 =	seq.s32 s10, $0x1;
	s10 =	sld [smem:$0x3FB4];
	_ =	sdelay $0x3  }
0x34: {  	[smem:$0x3FB4] =	sst s10  }
0x35: {  	s10 =	sld [smem:$0x3FB3];
	_ =	sdelay $0x3  }
0x36: {  	p1 =	seq.s32 s10, $0x1;
	s10 =	sld [smem:$0x3FB4];
	_ =	sdelay $0x3  }
0x37: {  	[smem:$0x3FB4] =	sst s10  }
0x38: {  	s10 =	sld [smem:$0x3FB5]  }
0x39: {  	_ = 	snop;
	(pc) =	sbr.ind lr, $3  }
0x3a: {  	_ = 	snop  }
0x3b: {  	_ = 	snop  }
0x3c: {  	p2 =	seq.s32 s10, $0x1;
	s10 =	sld [smem:$0x3FB4]  }
0x3d: {  	_ =	shalt  }
0x3e: {  	_ =	shalt  }
0x3f: {  	_ =	shalt  }
0x40: {  	_ =	shalt  }
0x41: {  	_ =	shalt  }
0x42: {  	_ =	shalt  }
0x43: {  	_ =	shalt  }
0x44: {  	_ =	shalt  }
0x45: {  	_ =	shalt  }
0x46: {  	_ =	shalt  }
0x47: {  	_ =	shalt  }
0x48: {  	_ =	shalt  }
0x49: {  	_ =	shalt  }
0x4a: {  	_ =	shalt  }
0x4b: {  	_ =	shalt  }
0x4c: {  	_ =	shalt  }
0x4d: {  	_ =	shalt  }
0x4e: {  	_ =	shalt  }
0x4f: {  	_ =	shalt  }
0x50: {  	_ =	shalt  }
0x51: {  	_ =	shalt  }
0x52: {  	_ =	shalt  }
0x53: {  	_ =	shalt  }
0x54: {  	_ =	shalt  }
0x55: {  	_ =	shalt  }
0x56: {  	_ =	shalt  }
0x57: {  	_ =	shalt  }
0x58: {  	_ =	shalt  }
0x59: {  	_ =	shalt  }
0x5a: {  	_ =	shalt  }
0x5b: {  	_ =	shalt  }
0x5c: {  	_ =	shalt  }
0x5d: {  	_ =	shalt  }
0x5e: {  	_ =	shalt  }
0x5f: {  	_ =	shalt  }
0x60: {  	_ =	shalt  }
0x61: {  	_ =	shalt  }
0x62: {  	_ =	shalt  }
0x63: {  	_ =	shalt  }
0x64: {  	_ =	shalt  }
0x65: {  	_ =	shalt  }
0x66: {  	_ =	shalt  }
0x67: {  	_ =	shalt  }
0x68: {  	_ =	shalt  }
0x69: {  	_ =	shalt  }
0x6a: {  	_ =	shalt  }
0x6b: {  	_ =	shalt  }
0x6c: {  	_ =	shalt  }
0x6d: {  	_ =	shalt  }
0x6e: {  	_ =	shalt  }
0x6f: {  	_ =	shalt  }
0x70: {  	_ =	shalt  }
0x71: {  	_ =	shalt  }
0x72: {  	_ =	shalt  }
0x73: {  	_ =	shalt  }
0x74: {  	_ =	shalt  }
0x75: {  	_ =	shalt  }
0x76: {  	_ =	shalt  }
0x77: {  	_ =	shalt  }
0x78: {  	_ =	shalt  }
0x79: {  	_ =	shalt  }
0x7a: {  	_ =	shalt  }
0x7b: {  	_ =	shalt  }
0x7c: {  	_ =	shalt  }
0x7d: {  	_ =	shalt  }
0x7e: {  	_ =	shalt  }
0x7f: {  	_ =	shalt  }
0x80: {  	_ =	shalt  }
0x81: {  	_ =	shalt  }
0x82: {  	_ =	shalt  }
0x83: {  	_ =	shalt  }
0x84: {  	_ =	shalt  }
0x85: {  	_ =	shalt  }
0x86: {  	_ =	shalt  }
0x87: {  	_ =	shalt  }
.Lfunc_end0:
.L_simem_size_0:
called_computation_lowered:
.L_overlay_start_0:
0x88: {  	s2 =	sld [smem:$0x3FD9]  }
0x89: {  	s3 =	sld [smem:$0x3FFE];
	_ =	sdelay $0x1  }
0x8a: {  	s1 =	srdreg.scid  }
0x8b: {  	s0 =	sand.u32 $0x1, s1  }
0x8c: {  	s16 =	sshll.u32 s0, $0xA;
	s2 =	sadd.s32 s3, s2  }
0x8d: {  	s2 =	sadd.s32 s2, s16  }
0x8e: {  	[smem:$0x3FC0] =	sst s2  }
0x8f: {  	_ = 	snop  }
0x90: {  	(tm) =	ssettm $0x1  }
0x91: {  	s17 =	sld [smem:$0x3FFB];
	_ =	sdelay $0x3  }
0x92: {  	_ =	strace s17  }
0x93: {  	s2 =	sld [smem:$0x3FFC];
	_ =	sdelay $0x3  }
0x94: {  	_ =	strace s2  }
0x95: {  	s2 =	sld [smem:$0x3FFD];
	_ =	sdelay $0x3  }
0x96: {  	_ =	strace s2  }
0x97: {  	_ =	strace $0x8FFFFFFF  }
0x98: {  	s18 =	sld [smem:$0x3FDB];
	_ =	sdelay $0x1  }
0x99: {  	s19 =	simm.s32 $_scs_section_size  }
0x9a: {  	s4 =	simm.s32 $_size__tile_overlayer_lowered;
	s5 =	simm.s32 $_tile_overlayer_lowered  }
0x9b: {  	s22 =	simm.s32 $0x1BFF;
	s21 =	sshll.u32 s5, $0x1;
	s2 =	sadd.s32 s19, s18  }
0x9c: {  	s6 =	simm.s32 $0x0;
	s20 =	sshll.u32 s4, $0x1;
	s4 =	sadd.s32 s21, s2  }
0x9d: {  	[timem:s6], [sflag:s22] =	dma.local [hbm:s4], s20  }
0x9e: {  	_ =	swait.ge [sflag:s22], s20  }
0x9f: {  	s3 =	ssub.s32 $0x0, s20;
	[sflag:s22] =	ssyncset.done $0x0  }
0xa0: {  	[sflag:s22] =	ssyncadd.s32 s3;
	_ =	sdelay $0x1  }
0xa1: {  	s23 =	simm.s32 $0x1B8B  }
0xa2: {  	_ =	swait.ge [sflag:s23], $0x1  }
0xa3: {  	[sflag:s23] =	ssyncset.done $0x0  }
0xa4: {  	s25 =	simm.s32 $0x1B8E;
	s24 =	sld [smem:$0x3FFE];
	[sflag:s23] =	ssyncadd.s32 $0xFFFFFFFF  }
0xa5: {  	s26 =	simm.s32 $execute0_lowered;
	[smem:$0x3FD2] =	sst s25  }
0xa6: {  	s4 =	sshll.u32 s26, $0x1;
	_ =	strace $0x80000046;
	[dreg:$0x1] =	wrdreg $0xFFFFFFFF  }
0xa7: {  	s28 =	simm.s32 $_size_execute0_lowered;
	s2 =	sadd.s32 s2, s4;
	[dreg:$0x0] =	wrdreg $0x0  }
0xa8: {  	s4 =	sshll.u32 s28, $0x1;
	[dreg:$0x2] =	wrdreg s2  }
0xa9: {  	[dreg:$0x3] =	wrdreg s4  }
0xaa: {  	[dreg:$0x4] =	wrdreg $0xC0  }
0xab: {  	_ =	task [dreg:s6], $0x5FFFF  }
0xac: {  	[dreg:$0x1] =	wrdreg $0xFFFFFFFF  }
0xad: {  	[dreg:$0x0] =	wrdreg $0x60  }
0xae: {  	[dreg:$0x2] =	wrdreg s24  }
0xaf: {  	[dreg:$0x3] =	wrdreg $0x9  }
0xb0: {  	_ =	task.clear_ibuf [dreg:s6], $0x4FFFF;
	_ =	strace $0x90000046  }
0xb1: {  	s29 =	simm.s32 $0x9;
	_ =	strace $0x80000048  }
0xb2: {  	_ =	swait.ge [sflag:s29], $0x1  }
0xb3: {  	[sflag:s29] =	ssyncadd.s32 $0xFFFFFFFF  }
0xb4: {  	_ =	strace $0x90000048  }
0xb5: {  	_ =	sfence  }
0xb6: {  	s30 =	sld [smem:$0x0];
	_ =	sdelay $0x2  }
0xb7: {  	s31 =	sshll.u32 s1, $0xD;
	s1 =	sshrl.u32 s1, $0x2  }
0xb8: {  	s3 =	sand.u32 $0x4000, s31;
	s1 =	sadd.s32 s1, s30  }
0xb9: {  	s0 =	sor.u32 s3, s0;
	s1 =	sshll.u32 s1, $0x11  }
0xba: {  	s0 =	sor.u32 s1, s0  }
0xbb: {  	s0 =	sadd.s32 $0x8F2B, s0  }
0xbc: {  	[sflag:s0] =	ssyncadd.remote.s32 $0x1  }
0xbd: {  	_ =	sfence.sel $0xFFFF  }
0xbe: {  	[dreg:$0x0] =	wrdreg $0xFFFFFFFF;
	(pc) =	sbr.abs _section_cstart, $3  }
0xbf: {  	[dreg:$0x1] =	wrdreg $0xFFFFFFFF  }
0xc0: {  	_ =	task.clear_ibuf [dreg:s6], $0x2FFFF;
	_ =	strace $0x9FFFFFFF  }
0xc1: {  	(tm) =	ssettm $0x7FFFFFFF  }
tec
execute0_lowered:
.L_overlay_start_1:
0x0: {  	(tag) =	ssettag $0x1  }
0x1: {  	s5 =	rddreg [dreg:$0x0]  }
0x2: {  	s0 =	rddreg [dreg:$0x1];
	s3 =	srdreg.scid  }
0x3: {  	s2 =	simm.s32 $0x0;
	s1 =	stileid.u32;
	s10 =	simm.s32 $0x2  }
0x4: {  	s11 =	simm.s32 $0x80;
	s12 =	simm.s32 $0x1;
	s13 =	simm.s32 $0x8000  }
0x5: {  	s14 =	simm.s32 $0x0;
	s6 =	sand.u32 $0x1, s3;
	[smem:$0x7FF] =	sst s2  }
0x6: {  	s4 =	sshll.u32 s1, $0xD;
	s3 =	sadd.s32 $0xC00, s5;
	s7 =	sshll.u32 s6, $0xC  }
0x7: {  	_ =	strace $0x80000047;
	s31 =	ssub.s32 $0x2, s6;
	s7 =	sor.u32 s7, s4  }
0x8: {  	s4 =	sadd.s32 $0x7A1E00, s5;
	s9 =	sshrl.u32 s31, $0x1;
	s8 =	sadd.s32 s7, s5  }
0x9: {  	s9 =	ssub.s32 s31, s9;
	s5 =	sadd.s32 $0xF43200, s8;
	s6 =	sadd.s32 $0xF83200, s8  }
0xa: {  	s7 =	sadd.s32 $0xF63200, s8;
	s8 =	sadd.s32 $0xFA3200, s8;
	s9 =	smax.u32 s9, $0x1  }
.LBB2_1:
0xb: {  	[tilespmem:s2], [sflag:$0x2] =	stream.linear.gather [hbm4b:s5+s2], $0x8000, $0x38;
	[tilespmem:$0x10000] =	vst v63  }
0xc: {  	_ =	swait.ge [sflag:s10], $0x8000  }
0xd: {  	s15 =	simm.s32 $0x200;
	[sflag:s10] =	ssyncset.done $0x0  }
0xe: {  	s16 =	simm.s32 $0x0;
	s17 =	simm.s32 $0x8000;
	[sflag:s10] =	ssyncadd.s32 $0xFFFF8000  }
.LBB2_2:
0xf: {  	[tilespmem:s17], [sflag:$0x1] =	stream.indirect.gather [hbm4b:s3+s11], $0x1, s16, s11, $0xb8;
	[tilespmem:$0x10000] =	vst v63  }
0x10: {  	s16 =	smov.u32 s15;
	p0 =	sne.s32 s15, $0x1FE00  }
.Ltmp0:
0x11: {  	s15 =	sadd.s32 $0x200, s15;
	(pc) =	sbr.rel @p0 .LBB2_2-.Ltmp0, $3  }
0x12: {  	_ =	sdelay $0x1  }
0x13: {  	s16 =	sshra.s32 s16, $0x2  }
0x14: {  	s17 =	sadd.s32 $0x8000, s16  }
0x15: {  	[tilespmem:s17], [sflag:$0x1] =	stream.indirect.gather [hbm4b:s3+s11], $0x1, s16, s11, $0xb8;
	[tilespmem:$0x10000] =	vst v63  }
0x16: {  	_ =	swait.ge [sflag:s12], $0x8000  }
0x17: {  	[sflag:s12] =	ssyncset.done $0x0  }
0x18: {  	s15 =	simm.s32 $0x0;
	[sflag:s12] =	ssyncadd.s32 $0xFFFF8000  }
0x19: {  	[hbm4b:s6+s15] =	stream.linear.scatter [tilespmem:s13], [sflag:$0x2], $0x8000, $0x38;
	[tilespmem:$0x10000] =	vst v63  }
0x1a: {  	_ =	swait.ge [sflag:s10], $0x8000  }
0x1b: {  	[sflag:s10] =	ssyncset.done $0x0  }
0x1c: {  	[sflag:s10] =	ssyncadd.s32 $0xFFFF8000  }
0x1d: {  	[tilespmem:s15], [sflag:$0x2] =	stream.linear.gather [hbm4b:s7+s15], $0x8000, $0x38;
	[tilespmem:$0x10000] =	vst v63  }
0x1e: {  	_ =	swait.ge [sflag:s10], $0x8000  }
0x1f: {  	s16 =	simm.s32 $0x0;
	[sflag:s10] =	ssyncset.done $0x0  }
0x20: {  	s17 =	simm.s32 $0x8000;
	s15 =	simm.s32 $0x200;
	[sflag:s10] =	ssyncadd.s32 $0xFFFF8000  }
.LBB2_4:
0x21: {  	[tilespmem:s17], [sflag:$0x1] =	stream.indirect.gather [hbm4b:s4+s11], $0x1, s16, s11, $0xb8;
	[tilespmem:$0x10000] =	vst v63  }
0x22: {  	s16 =	smov.u32 s15;
	p0 =	sne.s32 s15, $0x1FE00  }
.Ltmp1:
0x23: {  	s15 =	sadd.s32 $0x200, s15;
	(pc) =	sbr.rel @p0 .LBB2_4-.Ltmp1, $3  }
0x24: {  	_ =	sdelay $0x1  }
0x25: {  	s16 =	sshra.s32 s16, $0x2  }
0x26: {  	s17 =	sadd.s32 $0x8000, s16  }
0x27: {  	[tilespmem:s17], [sflag:$0x1] =	stream.indirect.gather [hbm4b:s4+s11], $0x1, s16, s11, $0xb8;
	[tilespmem:$0x10000] =	vst v63  }
0x28: {  	s14 =	sadd.s32 $0x1, s14;
	_ =	swait.ge [sflag:s12], $0x8000  }
0x29: {  	p0 =	sne.s32 s14, s9;
	[sflag:s12] =	ssyncset.done $0x0  }
.Ltmp2:
0x2a: {  	[sflag:s12] =	ssyncadd.s32 $0xFFFF8000;
	(pc) =	sbr.rel @p0 .LBB2_1-.Ltmp2, $4  }
0x2b: {  	[hbm4b:s8+s2] =	stream.linear.scatter [tilespmem:s13], [sflag:$0x2], $0x8000, $0x38;
	[tilespmem:$0x10000] =	vst v63  }
0x2c: {  	_ =	swait.ge [sflag:s10], $0x8000  }
0x2d: {  	[sflag:s10] =	ssyncset.done $0x0  }
0x2e: {  	[sflag:s10] =	ssyncadd.s32 $0xFFFF8000  }
0x2f: {  	_ =	sfence.sel $0x180000  }
0x30: {  	[bflag:$0x0] =	sbarrier.arrive $0xFFFF  }
0x31: {  	p0 =	sne.s32 s1, $0x0;
	_ =	strace $0x90000047  }
0x32: {  	s0 =	sadd.s32 @!p0 $0x100000, s0;
	[bflag:$0x2] =	sbarrier.arrive $0xFFFF  }
0x33: {  	[sflag:s0] =	ssyncadd.tile.s32 @!p0 $0x1;
	_ =	shalt  }
.Lfunc_end2:
_tile_overlayer_lowered:
.L_overlay_start_2:
0x34: {  	(tag) =	ssettag $0x2  }
0x35: {  	s0 =	rddreg [dreg:$0x0];
	s2 =	stileid.u32  }
0x36: {  	s1 =	rddreg [dreg:$0x1];
	p0 =	sne.s32 s2, $0x0  }
0x37: {  	s3 =	rddreg [dreg:$0x2];
	[bflag:$0x3] =	sbarrier.arrive $0xFFFF;
	s2 =	simm.s32 @!p0 $0x1C02  }
0x38: {  	[timem:s3], [sflag:s2] =	dma.local @!p0 [hbm:s0], s1  }
0x39: {  	s0 =	simm.s32 @!p0 $0x2  }
0x3a: {  	_ =	swait.ge @!p0 [sflag:s0], s1  }
0x3b: {  	s1 =	ssub.s32 @!p0 $0x0, s1;
	[sflag:s0] =	ssyncset.done @!p0 $0x0  }
0x3c: {  	[sflag:s0] =	ssyncadd.s32 @!p0 s1  }
0x3d: {  	[bflag:$0x3] =	sbarrier.arrive $0xFFFF  }
0x3e: {  	_ =	shalt  }

</sc_bundles>
